<compile_context>
chip_gen: v7x
topology: tpu7x:2x2x1
jax: 0.10.2.dev20260603
libtpu: 0.0.44.dev20260713+nightly
codegen_flags: <defaults>
</compile_context>

<pallas_src>
import functools

import jax
import jax.numpy as jnp
from jax import lax
from jax.experimental import pallas as pl
from jax.experimental.pallas import tpu as pltpu
from jax.experimental.pallas import tpu_sc as plsc

_NUM_EMB = 1024
_EMB_DIM = 64
_COMMIT = 0.25
_TBLK = 2048


def _vq_body(flat_ref, w_ref, w2_ref, wsq_ref, iota_ref, enc_ref, qst_ref,
             idx_ref, loss_ref, sse_ref):
    i = pl.program_id(0)
    nsteps = pl.num_programs(0)
    xb = flat_ref[...]
    w = w_ref[...]
    xsq = jnp.sum(xb * xb, axis=1, keepdims=True)
    m2 = lax.dot_general(xb, w2_ref[...], (((1,), (1,)), ((), ())),
                         preferred_element_type=jnp.float32)
    dist = (xsq + wsq_ref[...]) - m2
    dmin = jnp.min(dist, axis=1, keepdims=True)
    iota = iota_ref[...]
    idx = jnp.min(jnp.where(dist == dmin, iota, float(_NUM_EMB)),
                  axis=1, keepdims=True)
    enc = (iota == idx).astype(jnp.float32)
    enc_ref[...] = enc
    idx_ref[...] = idx.astype(jnp.int32)
    q = lax.dot_general(enc, w, (((1,), (0,)), ((), ())),
                        preferred_element_type=jnp.float32)
    d = q - xb
    qst_ref[...] = xb + d
    sse_part = jnp.sum(d * d)

    @pl.when(i == 0)
    def _init():
        sse_ref[0] = sse_part

    @pl.when(i != 0)
    def _acc():
        sse_ref[0] += sse_part

    @pl.when(i == nsteps - 1)
    def _fin():
        n_tok = nsteps * _TBLK
        mean = sse_ref[0] / (n_tok * _EMB_DIM)
        loss_ref[...] = jnp.reshape(mean + _COMMIT * mean, (1, 1))


_SC_MESH = plsc.VectorSubcoreMesh(core_axis_name="c", subcore_axis_name="s")
_PER_WORKER = 1024


@functools.partial(
    pl.kernel,
    mesh=_SC_MESH,
    out_type=jax.ShapeDtypeStruct((2, _NUM_EMB), jnp.float32),
    scratch_types=[
        pltpu.VMEM((_PER_WORKER,), jnp.int32),
        pltpu.VMEM((_PER_WORKER,), jnp.float32),
        pltpu.VMEM_SHARED((_NUM_EMB,), jnp.float32),
    ],
)
def _hist_sc(idx_hbm, ones_hbm, zeros_hbm, out_hbm, idx_v, ones_v, shared):
    c = lax.axis_index("c")
    s = lax.axis_index("s")
    base = (c * 16 + s) * _PER_WORKER
    pltpu.sync_copy(idx_hbm.at[pl.ds(base, _PER_WORKER)], idx_v)
    pltpu.sync_copy(ones_hbm, ones_v)

    @pl.when(s == 0)
    def _zero():
        pltpu.sync_copy(zeros_hbm, shared)

    plsc.subcore_barrier()
    pltpu.sync_copy(ones_v, shared.at[idx_v], add=True)
    plsc.subcore_barrier()

    @pl.when(s == 0)
    def _drain():
        pltpu.sync_copy(shared, out_hbm.at[c])


def kernel(inputs, W):
    B, C, H, Wd = inputs.shape
    x = jnp.transpose(inputs, (0, 2, 3, 1))
    flat = x.reshape(-1, C)
    N = flat.shape[0]
    wsq = jnp.sum(W ** 2, axis=1).reshape(1, _NUM_EMB)
    w2 = W + W
    iota = lax.broadcasted_iota(jnp.float32, (1, _NUM_EMB), 1)
    grid = N // _TBLK

    enc, qst, idx, loss = pl.pallas_call(
        _vq_body,
        grid=(grid,),
        in_specs=[
            pl.BlockSpec((_TBLK, C), lambda i: (i, 0)),
            pl.BlockSpec((_NUM_EMB, C), lambda i: (0, 0)),
            pl.BlockSpec((_NUM_EMB, C), lambda i: (0, 0)),
            pl.BlockSpec((1, _NUM_EMB), lambda i: (0, 0)),
            pl.BlockSpec((1, _NUM_EMB), lambda i: (0, 0)),
        ],
        out_specs=[
            pl.BlockSpec((_TBLK, _NUM_EMB), lambda i: (i, 0)),
            pl.BlockSpec((_TBLK, C), lambda i: (i, 0)),
            pl.BlockSpec((_TBLK, 1), lambda i: (i, 0)),
            pl.BlockSpec((1, 1), lambda i: (0, 0)),
        ],
        out_shape=[
            jax.ShapeDtypeStruct((N, _NUM_EMB), jnp.float32),
            jax.ShapeDtypeStruct((N, C), jnp.float32),
            jax.ShapeDtypeStruct((N, 1), jnp.int32),
            jax.ShapeDtypeStruct((1, 1), jnp.float32),
        ],
        scratch_shapes=[
            pltpu.SMEM((1,), jnp.float32),
        ],
    )(flat, W, w2, wsq, iota)

    ones = jnp.ones((_PER_WORKER,), jnp.float32)
    zeros = jnp.zeros((_NUM_EMB,), jnp.float32)
    counts2 = _hist_sc(idx.reshape(N), ones, zeros)
    avg = (counts2[0] + counts2[1]) / N
    ppl = jnp.exp(-jnp.sum(avg * jnp.log(avg + 1e-10)))

    quantized_st = jnp.transpose(qst.reshape(B, H, Wd, C), (0, 3, 1, 2))
    return (loss[0, 0], quantized_st, ppl, enc)

# --- scband reference (transcript-rebuilt; emitter-appended) ---
"""Pipeline reference for scband-vector-quantizer-layer-292057776278 (READ-ONLY COPY).

The authoritative reference and input builder live on the scoring server;
editing this copy changes nothing except your own understanding.
"""

import jax, jax.numpy as jnp
import numpy as np

NUM_EMB = 1024
EMB_DIM = 64
COMMIT = 0.25

def setup_inputs(seed: int = 0) -> dict:
    key = jax.random.key(seed)
    k1, k2 = jax.random.split(key)
    inputs = jax.random.normal(k1, (32, EMB_DIM, 32, 32), dtype=jnp.float32)
    W = jax.random.uniform(k2, (NUM_EMB, EMB_DIM), dtype=jnp.float32,
                           minval=-1.0 / NUM_EMB, maxval=1.0 / NUM_EMB)
    return {"inputs": inputs, "W": W}

def reference(inputs, W):
    # permute BCHW -> BHWC
    x = jnp.transpose(inputs, (0, 2, 3, 1))
    input_shape = x.shape
    flat = x.reshape(-1, EMB_DIM)
    # squared L2 distances to each codebook entry
    distances = (jnp.sum(flat ** 2, axis=1, keepdims=True)
                 + jnp.sum(W ** 2, axis=1)
                 - 2.0 * jnp.matmul(flat, W.T))
    encoding_indices = jnp.argmin(distances, axis=1)
    # one-hot encodings via scatter-overwrite
    encodings = jnp.zeros((encoding_indices.shape[0], NUM_EMB), dtype=jnp.float32)
    encodings = encodings.at[jnp.arange(encoding_indices.shape[0]), encoding_indices].set(1.0)
    quantized = jnp.matmul(encodings, W).reshape(input_shape)
    e_latent_loss = jnp.mean((jax.lax.stop_gradient(quantized) - x) ** 2)
    q_latent_loss = jnp.mean((quantized - jax.lax.stop_gradient(x)) ** 2)
    loss = q_latent_loss + COMMIT * e_latent_loss
    # straight-through estimator
    quantized_st = x + jax.lax.stop_gradient(quantized - x)
    avg_probs = jnp.mean(encodings, axis=0)
    perplexity = jnp.exp(-jnp.sum(avg_probs * jnp.log(avg_probs + 1e-10)))
    return (loss, jnp.transpose(quantized_st, (0, 3, 1, 2)), perplexity, encodings)

if __name__ == "__main__":
    import jax
    _d = setup_inputs()
    print(jax.jit(kernel)(*tuple(_d.values())))

</pallas_src>

<mosaic_0001>
#map = affine_map<(d0, d1) -> (0)>
#map1 = affine_map<(d0, d1) -> (0, 0)>
module attributes {stable_mosaic.version = 14 : i64} {
  func.func @_hist_sc(%arg0: i32, %arg1: i32, %arg2: memref<32768xi32, #tpu.memory_space<hbm>>, %arg3: memref<1024xf32, #tpu.memory_space<hbm>>, %arg4: memref<1024xf32, #tpu.memory_space<hbm>>, %arg5: memref<2x1024xf32, #tpu.memory_space<hbm>>, %arg6: memref<1024xi32, #tpu.memory_space<vmem>>, %arg7: memref<1024xf32, #tpu.memory_space<vmem>>, %arg8: memref<1024xf32, #tpu.memory_space<vmem_shared>>) attributes {dimension_semantics = [#tpu.dimension_semantics<core_parallel>, #tpu.dimension_semantics<subcore_parallel>], iteration_bounds = array<i64: 2, 16>, scalar_prefetch = 0 : i64, scratch_operands = 3 : i64, tpu.core_type = #tpu.core_type<sc_vector_subcore>, window_params = [{transform_indices = #map}, {transform_indices = #map}, {transform_indices = #map}, {transform_indices = #map1}]} {
    %mul3A = arith.constant 16 : i32
    %mul3A_0 = arith.muli %arg0, %mul3A : i32
    %add3A = arith.addi %mul3A_0, %arg1 : i32
    %mul3A_1 = arith.constant 1024 : i32
    %mul3A_2 = arith.muli %add3A, %mul3A_1 : i32
    "tpu.region"() ({
      %run_scoped3A = tpu.sem_alloc : memref<!tpu.dma_semaphore, #tpu.memory_space<semaphore_mem>>
      %dma_start3A = tpu.memref_slice %arg2[%mul3A_2] : memref<32768xi32, #tpu.memory_space<hbm>> -> memref<1024xi32, #tpu.memory_space<hbm>>
      %dma_start3A_11 = tpu.memref_slice %arg2[%mul3A_2] : memref<32768xi32, #tpu.memory_space<hbm>> -> memref<1024xi32, #tpu.memory_space<hbm>>
      tpu.enqueue_dma source(%dma_start3A_11 : memref<1024xi32, #tpu.memory_space<hbm>>) target(%arg6 : memref<1024xi32, #tpu.memory_space<vmem>>) target_semaphore(%run_scoped3A : memref<!tpu.dma_semaphore, #tpu.memory_space<semaphore_mem>>)
      %dma_wait3A = tpu.memref_slice %arg2[%mul3A_2] : memref<32768xi32, #tpu.memory_space<hbm>> -> memref<1024xi32, #tpu.memory_space<hbm>>
      %dma_wait3A_12 = tpu.memref_slice %arg2[%mul3A_2] : memref<32768xi32, #tpu.memory_space<hbm>> -> memref<1024xi32, #tpu.memory_space<hbm>>
      tpu.wait_dma2 semaphore(%run_scoped3A : memref<!tpu.dma_semaphore, #tpu.memory_space<semaphore_mem>>) src(%dma_wait3A_12 : memref<1024xi32, #tpu.memory_space<hbm>>) dst(%arg6 : memref<1024xi32, #tpu.memory_space<vmem>>)
      tpu.yield
    }) : () -> ()
    "tpu.region"() ({
      %run_scoped3A = tpu.sem_alloc : memref<!tpu.dma_semaphore, #tpu.memory_space<semaphore_mem>>
      tpu.enqueue_dma source(%arg3 : memref<1024xf32, #tpu.memory_space<hbm>>) target(%arg7 : memref<1024xf32, #tpu.memory_space<vmem>>) target_semaphore(%run_scoped3A : memref<!tpu.dma_semaphore, #tpu.memory_space<semaphore_mem>>)
      tpu.wait_dma2 semaphore(%run_scoped3A : memref<!tpu.dma_semaphore, #tpu.memory_space<semaphore_mem>>) src(%arg3 : memref<1024xf32, #tpu.memory_space<hbm>>) dst(%arg7 : memref<1024xf32, #tpu.memory_space<vmem>>)
      tpu.yield
    }) : () -> ()
    %eq3A = arith.constant 0 : i32
    %eq3A_3 = arith.cmpi eq, %arg1, %eq3A : i32
    %convert_element_type3A = arith.extui %eq3A_3 : i1 to i32
    %cond3A = arith.constant 0 : i32
    %cond3A_4 = arith.cmpi ne, %convert_element_type3A, %cond3A : i32
    scf.if %cond3A_4 {
      "tpu.region"() ({
        %run_scoped3A = tpu.sem_alloc : memref<!tpu.dma_semaphore, #tpu.memory_space<semaphore_mem>>
        tpu.enqueue_dma source(%arg4 : memref<1024xf32, #tpu.memory_space<hbm>>) target(%arg8 : memref<1024xf32, #tpu.memory_space<vmem_shared>>) target_semaphore(%run_scoped3A : memref<!tpu.dma_semaphore, #tpu.memory_space<semaphore_mem>>)
        tpu.wait_dma2 semaphore(%run_scoped3A : memref<!tpu.dma_semaphore, #tpu.memory_space<semaphore_mem>>) src(%arg4 : memref<1024xf32, #tpu.memory_space<hbm>>) dst(%arg8 : memref<1024xf32, #tpu.memory_space<vmem_shared>>)
        tpu.yield
      }) : () -> ()
    } else {
    }
    %barrier3A = arith.constant 0 : index
    tpu.barrier barrier_id(%barrier3A)
    "tpu.region"() ({
      %run_scoped3A = tpu.sem_alloc : memref<!tpu.dma_semaphore, #tpu.memory_space<semaphore_mem>>
      %dma_start3A = arith.constant 0 : i32
      %dma_start3A_11 = tpu.memref_slice %arg8[%dma_start3A] : memref<1024xf32, #tpu.memory_space<vmem_shared>> -> memref<1024xf32, #tpu.memory_space<vmem_shared>>
      tpu.enqueue_indirect_dma source(%arg7 : memref<1024xf32, #tpu.memory_space<vmem>>) target(%dma_start3A_11 : memref<1024xf32, #tpu.memory_space<vmem_shared>>) offsets(%arg6 : memref<1024xi32, #tpu.memory_space<vmem>>) semaphore(%run_scoped3A : memref<!tpu.dma_semaphore, #tpu.memory_space<semaphore_mem>>) {add = true}
      %dma_wait3A = arith.constant 0 : i32
      %dma_wait3A_12 = tpu.memref_slice %arg8[%dma_wait3A] : memref<1024xf32, #tpu.memory_space<vmem_shared>> -> memref<1024xf32, #tpu.memory_space<vmem_shared>>
      tpu.wait_indirect_dma semaphore(%run_scoped3A : memref<!tpu.dma_semaphore, #tpu.memory_space<semaphore_mem>>) src(%arg7 : memref<1024xf32, #tpu.memory_space<vmem>>) dst(%dma_wait3A_12 : memref<1024xf32, #tpu.memory_space<vmem_shared>>)
      tpu.yield
    }) : () -> ()
    %barrier3A_5 = arith.constant 0 : index
    tpu.barrier barrier_id(%barrier3A_5)
    %eq3A_6 = arith.constant 0 : i32
    %eq3A_7 = arith.cmpi eq, %arg1, %eq3A_6 : i32
    %convert_element_type3A_8 = arith.extui %eq3A_7 : i1 to i32
    %cond3A_9 = arith.constant 0 : i32
    %cond3A_10 = arith.cmpi ne, %convert_element_type3A_8, %cond3A_9 : i32
    scf.if %cond3A_10 {
      "tpu.region"() ({
        %run_scoped3A = tpu.sem_alloc : memref<!tpu.dma_semaphore, #tpu.memory_space<semaphore_mem>>
        %dma_start3A = arith.constant 0 : i32
        %dma_start3A_11 = tpu.memref_slice %arg5[%arg0, %dma_start3A] : memref<2x1024xf32, #tpu.memory_space<hbm>> -> memref<1x1024xf32, #tpu.memory_space<hbm>>
        %dma_start3A_12 = tpu.memref_squeeze %dma_start3A_11 : memref<1x1024xf32, #tpu.memory_space<hbm>> -> memref<1024xf32, #tpu.memory_space<hbm>>
        tpu.enqueue_dma source(%arg8 : memref<1024xf32, #tpu.memory_space<vmem_shared>>) target(%dma_start3A_12 : memref<1024xf32, #tpu.memory_space<hbm>>) target_semaphore(%run_scoped3A : memref<!tpu.dma_semaphore, #tpu.memory_space<semaphore_mem>>)
        %dma_wait3A = arith.constant 0 : i32
        %dma_wait3A_13 = tpu.memref_slice %arg5[%arg0, %dma_wait3A] : memref<2x1024xf32, #tpu.memory_space<hbm>> -> memref<1x1024xf32, #tpu.memory_space<hbm>>
        %dma_wait3A_14 = tpu.memref_squeeze %dma_wait3A_13 : memref<1x1024xf32, #tpu.memory_space<hbm>> -> memref<1024xf32, #tpu.memory_space<hbm>>
        tpu.wait_dma2 semaphore(%run_scoped3A : memref<!tpu.dma_semaphore, #tpu.memory_space<semaphore_mem>>) src(%arg8 : memref<1024xf32, #tpu.memory_space<vmem_shared>>) dst(%dma_wait3A_14 : memref<1024xf32, #tpu.memory_space<hbm>>)
        tpu.yield
      }) : () -> ()
    } else {
    }
    return
  }
}

module attributes {stable_mosaic.version = 14 : i64} {
  func.func @_vq_body(%arg0: i32, %arg1: memref<2048x64xf32, #tpu.memory_space<vmem>>, %arg2: memref<1024x64xf32, #tpu.memory_space<vmem>>, %arg3: memref<1024x64xf32, #tpu.memory_space<vmem>>, %arg4: memref<1x1024xf32, #tpu.memory_space<vmem>>, %arg5: memref<1x1024xf32, #tpu.memory_space<vmem>>, %arg6: memref<2048x1024xf32, #tpu.memory_space<vmem>>, %arg7: memref<2048x64xf32, #tpu.memory_space<vmem>>, %arg8: memref<2048x1xi32, #tpu.memory_space<vmem>>, %arg9: memref<1x1xf32, #tpu.memory_space<vmem>>, %arg10: memref<1xf32, #tpu.memory_space<smem>>) attributes {dimension_semantics = [#tpu.dimension_semantics<arbitrary>], iteration_bounds = array<i64: 16>, scalar_prefetch = 0 : i64, scratch_operands = 1 : i64, tpu.core_type = #tpu.core_type<tc>, window_params = [{transform_indices = @transform_0, window_bounds = array<i64: 2048, 64>}, {pipeline_mode = #tpu.pipeline_mode<synchronous>, transform_indices = @transform_1, window_bounds = array<i64: 1024, 64>}, {pipeline_mode = #tpu.pipeline_mode<synchronous>, transform_indices = @transform_2, window_bounds = array<i64: 1024, 64>}, {pipeline_mode = #tpu.pipeline_mode<synchronous>, transform_indices = @transform_3, window_bounds = array<i64: 1, 1024>}, {pipeline_mode = #tpu.pipeline_mode<synchronous>, transform_indices = @transform_4, window_bounds = array<i64: 1, 1024>}, {transform_indices = @transform_5, window_bounds = array<i64: 2048, 1024>}, {transform_indices = @transform_6, window_bounds = array<i64: 2048, 64>}, {transform_indices = @transform_7, window_bounds = array<i64: 2048, 1>}, {pipeline_mode = #tpu.pipeline_mode<synchronous>, transform_indices = @transform_8, window_bounds = array<i64: 1, 1>}]} {
    %get3A = arith.constant 0 : index
    %get3A_0 = arith.constant 0 : index
    %get3A_1 = vector.load %arg1[%get3A, %get3A_0] : memref<2048x64xf32, #tpu.memory_space<vmem>>, vector<2048x64xf32>
    %get3A_2 = arith.constant 0 : index
    %get3A_3 = arith.constant 0 : index
    %get3A_4 = vector.load %arg2[%get3A_2, %get3A_3] : memref<1024x64xf32, #tpu.memory_space<vmem>>, vector<1024x64xf32>
    %mul3A = arith.mulf %get3A_1, %get3A_1 : vector<2048x64xf32>
    %reduce_sum3A = arith.constant dense<0.000000e+00> : vector<2048xf32>
    %reduce_sum3A_5 = vector.multi_reduction <add>, %mul3A, %reduce_sum3A [1] : vector<2048x64xf32> to vector<2048xf32>
    %broadcast_in_dim3A = vector.shape_cast %reduce_sum3A_5 : vector<2048xf32> to vector<2048x1xf32>
    %get3A_6 = arith.constant 0 : index
    %get3A_7 = arith.constant 0 : index
    %get3A_8 = vector.load %arg3[%get3A_6, %get3A_7] : memref<1024x64xf32, #tpu.memory_space<vmem>>, vector<1024x64xf32>
    %dot_general3A = arith.constant dense<0.000000e+00> : vector<2048x1024xf32>
    %dot_general3A_9 = tpu.matmul %get3A_1, %get3A_8, %dot_general3A {dimension_numbers = #tpu.dot_dimension_numbers<[1], [1], [0], [0], [0, 0, 1, 0], [], []>, transpose_lhs_hint = false} : vector<2048x64xf32>, vector<1024x64xf32>, vector<2048x1024xf32> -> vector<2048x1024xf32>
    %get3A_10 = arith.constant 0 : index
    %get3A_11 = arith.constant 0 : index
    %get3A_12 = vector.load %arg4[%get3A_10, %get3A_11] : memref<1x1024xf32, #tpu.memory_space<vmem>>, vector<1x1024xf32>
    %add3A = vector.broadcast %broadcast_in_dim3A : vector<2048x1xf32> to vector<2048x1024xf32>
    %add3A_13 = vector.broadcast %get3A_12 : vector<1x1024xf32> to vector<2048x1024xf32>
    %add3A_14 = arith.addf %add3A, %add3A_13 : vector<2048x1024xf32>
    %sub3A = arith.subf %add3A_14, %dot_general3A_9 : vector<2048x1024xf32>
    %reduce_min3A = arith.constant dense<0x7F800000> : vector<2048xf32>
    %reduce_min3A_15 = vector.multi_reduction <minimumf>, %sub3A, %reduce_min3A [1] : vector<2048x1024xf32> to vector<2048xf32>
    %broadcast_in_dim3A_16 = vector.shape_cast %reduce_min3A_15 : vector<2048xf32> to vector<2048x1xf32>
    %get3A_17 = arith.constant 0 : index
    %get3A_18 = arith.constant 0 : index
    %get3A_19 = vector.load %arg5[%get3A_17, %get3A_18] : memref<1x1024xf32, #tpu.memory_space<vmem>>, vector<1x1024xf32>
    %eq3A = vector.broadcast %broadcast_in_dim3A_16 : vector<2048x1xf32> to vector<2048x1024xf32>
    %eq3A_20 = arith.cmpf oeq, %sub3A, %eq3A : vector<2048x1024xf32>
    %jit3A = arith.constant 1.024000e+03 : f32
    %broadcast_in_dim3A_21 = vector.shape_cast %get3A_19 : vector<1x1024xf32> to vector<1x1024xf32>
    %broadcast_in_dim3A_22 = vector.broadcast %broadcast_in_dim3A_21 : vector<1x1024xf32> to vector<2048x1024xf32>
    %broadcast_in_dim3A_23 = vector.broadcast %jit3A : f32 to vector<2048x1024xf32>
    %select_n3A = arith.select %eq3A_20, %broadcast_in_dim3A_22, %broadcast_in_dim3A_23 : vector<2048x1024xi1>, vector<2048x1024xf32>
    %reduce_min3A_24 = arith.constant dense<0x7F800000> : vector<2048xf32>
    %reduce_min3A_25 = vector.multi_reduction <minimumf>, %select_n3A, %reduce_min3A_24 [1] : vector<2048x1024xf32> to vector<2048xf32>
    %broadcast_in_dim3A_26 = vector.shape_cast %reduce_min3A_25 : vector<2048xf32> to vector<2048x1xf32>
    %eq3A_27 = vector.broadcast %get3A_19 : vector<1x1024xf32> to vector<2048x1024xf32>
    %eq3A_28 = vector.broadcast %broadcast_in_dim3A_26 : vector<2048x1xf32> to vector<2048x1024xf32>
    %eq3A_29 = arith.cmpf oeq, %eq3A_27, %eq3A_28 : vector<2048x1024xf32>
    %convert_element_type3A = arith.extui %eq3A_29 : vector<2048x1024xi1> to vector<2048x1024xi32>
    %convert_element_type3A_30 = arith.sitofp %convert_element_type3A : vector<2048x1024xi32> to vector<2048x1024xf32>
    %swap3A = arith.constant 0 : index
    %swap3A_31 = arith.constant 0 : index
    %swap3A_32 = vector.load %arg6[%swap3A, %swap3A_31] : memref<2048x1024xf32, #tpu.memory_space<vmem>>, vector<2048x1024xf32>
    tpu.vector_store %arg6[%swap3A, %swap3A_31], %convert_element_type3A_30 {strides = array<i32>} : memref<2048x1024xf32, #tpu.memory_space<vmem>>, vector<2048x1024xf32>,
    %convert_element_type3A_33 = arith.fptosi %broadcast_in_dim3A_26 : vector<2048x1xf32> to vector<2048x1xi32>
    %swap3A_34 = arith.constant 0 : index
    %swap3A_35 = arith.constant 0 : index
    %swap3A_36 = vector.load %arg8[%swap3A_34, %swap3A_35] : memref<2048x1xi32, #tpu.memory_space<vmem>>, vector<2048x1xi32>
    tpu.vector_store %arg8[%swap3A_34, %swap3A_35], %convert_element_type3A_33 {strides = array<i32>} : memref<2048x1xi32, #tpu.memory_space<vmem>>, vector<2048x1xi32>,
    %dot_general3A_37 = arith.constant dense<0.000000e+00> : vector<2048x64xf32>
    %dot_general3A_38 = tpu.matmul %convert_element_type3A_30, %get3A_4, %dot_general3A_37 {dimension_numbers = #tpu.dot_dimension_numbers<[1], [0], [0], [1], [0, 0, 1, 1], [], []>, transpose_lhs_hint = false} : vector<2048x1024xf32>, vector<1024x64xf32>, vector<2048x64xf32> -> vector<2048x64xf32>
    %sub3A_39 = arith.subf %dot_general3A_38, %get3A_1 : vector<2048x64xf32>
    %add3A_40 = arith.addf %get3A_1, %sub3A_39 : vector<2048x64xf32>
    %swap3A_41 = arith.constant 0 : index
    %swap3A_42 = arith.constant 0 : index
    %swap3A_43 = vector.load %arg7[%swap3A_41, %swap3A_42] : memref<2048x64xf32, #tpu.memory_space<vmem>>, vector<2048x64xf32>
    tpu.vector_store %arg7[%swap3A_41, %swap3A_42], %add3A_40 {strides = array<i32>} : memref<2048x64xf32, #tpu.memory_space<vmem>>, vector<2048x64xf32>,
    %mul3A_44 = arith.mulf %sub3A_39, %sub3A_39 : vector<2048x64xf32>
    %reduce_sum3A_45 = vector.shape_cast %mul3A_44 : vector<2048x64xf32> to vector<1x2048x64xf32>
    %reduce_sum3A_46 = arith.constant dense<0.000000e+00> : vector<1xf32>
    %reduce_sum3A_47 = vector.multi_reduction <add>, %reduce_sum3A_45, %reduce_sum3A_46 [1, 2] : vector<1x2048x64xf32> to vector<1xf32>
    %reduce_sum3A_48 = vector.shape_cast %reduce_sum3A_47 : vector<1xf32> to vector<1x1x1xf32>
    %reduce_sum3A_49 = vector.extract %reduce_sum3A_48[0, 0, 0] : f32 from vector<1x1x1xf32>
    %eq3A_50 = arith.constant 0 : i32
    %eq3A_51 = arith.cmpi eq, %arg0, %eq3A_50 : i32
    %convert_element_type3A_52 = arith.extui %eq3A_51 : i1 to i32
    %cond3A = arith.constant 0 : i32
    %cond3A_53 = arith.cmpi ne, %convert_element_type3A_52, %cond3A : i32
    scf.if %cond3A_53 {
      %swap3A_63 = arith.constant 0 : index
      %swap3A_64 = memref.load %arg10[%swap3A_63] : memref<1xf32, #tpu.memory_space<smem>>
      memref.store %reduce_sum3A_49, %arg10[%swap3A_63] : memref<1xf32, #tpu.memory_space<smem>>
    } else {
    }
    %ne3A = arith.constant 0 : i32
    %ne3A_54 = arith.cmpi ne, %arg0, %ne3A : i32
    %convert_element_type3A_55 = arith.extui %ne3A_54 : i1 to i32
    %cond3A_56 = arith.constant 0 : i32
    %cond3A_57 = arith.cmpi ne, %convert_element_type3A_55, %cond3A_56 : i32
    scf.if %cond3A_57 {
      %get3A_63 = arith.constant 0 : index
      %get3A_64 = memref.load %arg10[%get3A_63] : memref<1xf32, #tpu.memory_space<smem>>
      %add3A_65 = arith.addf %get3A_64, %reduce_sum3A_49 : f32
      %swap3A_66 = arith.constant 0 : index
      %swap3A_67 = memref.load %arg10[%swap3A_66] : memref<1xf32, #tpu.memory_space<smem>>
      memref.store %add3A_65, %arg10[%swap3A_66] : memref<1xf32, #tpu.memory_space<smem>>
    } else {
    }
    %eq3A_58 = arith.constant 15 : i32
    %eq3A_59 = arith.cmpi eq, %arg0, %eq3A_58 : i32
    %convert_element_type3A_60 = arith.extui %eq3A_59 : i1 to i32
    %cond3A_61 = arith.constant 0 : i32
    %cond3A_62 = arith.cmpi ne, %convert_element_type3A_60, %cond3A_61 : i32
    scf.if %cond3A_62 {
      %get3A_63 = arith.constant 0 : index
      %get3A_64 = memref.load %arg10[%get3A_63] : memref<1xf32, #tpu.memory_space<smem>>
      %div3A = arith.constant 0x4A000000 : f32
      %div3A_65 = arith.divf %get3A_64, %div3A : f32
      %mul3A_66 = arith.constant 2.500000e-01 : f32
      %mul3A_67 = arith.mulf %mul3A_66, %div3A_65 : f32
      %add3A_68 = arith.addf %div3A_65, %mul3A_67 : f32
      %reshape3A = vector.broadcast %add3A_68 : f32 to vector<1x1xf32>
      %swap3A_69 = arith.constant 0 : index
      %swap3A_70 = arith.constant 0 : index
      %swap3A_71 = vector.load %arg9[%swap3A_69, %swap3A_70] : memref<1x1xf32, #tpu.memory_space<vmem>>, vector<1x1xf32>
      tpu.vector_store %arg9[%swap3A_69, %swap3A_70], %reshape3A {strides = array<i32>} : memref<1x1xf32, #tpu.memory_space<vmem>>, vector<1x1xf32>,
    } else {
    }
    return
  }
  func.func @transform_0(%arg0: i32) -> (i32, i32) {
    %c0_i32 = arith.constant 0 : i32
    %c0_i32_0 = arith.constant 0 : i32
    return %arg0, %c0_i32 : i32, i32
  }
  func.func @transform_1(%arg0: i32) -> (i32, i32) {
    %c0_i32 = arith.constant 0 : i32
    %c0_i32_0 = arith.constant 0 : i32
    %c0_i32_1 = arith.constant 0 : i32
    return %c0_i32, %c0_i32_0 : i32, i32
  }
  func.func @transform_2(%arg0: i32) -> (i32, i32) {
    %c0_i32 = arith.constant 0 : i32
    %c0_i32_0 = arith.constant 0 : i32
    %c0_i32_1 = arith.constant 0 : i32
    return %c0_i32, %c0_i32_0 : i32, i32
  }
  func.func @transform_3(%arg0: i32) -> (i32, i32) {
    %c0_i32 = arith.constant 0 : i32
    %c0_i32_0 = arith.constant 0 : i32
    %c0_i32_1 = arith.constant 0 : i32
    return %c0_i32, %c0_i32_0 : i32, i32
  }
  func.func @transform_4(%arg0: i32) -> (i32, i32) {
    %c0_i32 = arith.constant 0 : i32
    %c0_i32_0 = arith.constant 0 : i32
    %c0_i32_1 = arith.constant 0 : i32
    return %c0_i32, %c0_i32_0 : i32, i32
  }
  func.func @transform_5(%arg0: i32) -> (i32, i32) {
    %c0_i32 = arith.constant 0 : i32
    %c0_i32_0 = arith.constant 0 : i32
    return %arg0, %c0_i32 : i32, i32
  }
  func.func @transform_6(%arg0: i32) -> (i32, i32) {
    %c0_i32 = arith.constant 0 : i32
    %c0_i32_0 = arith.constant 0 : i32
    return %arg0, %c0_i32 : i32, i32
  }
  func.func @transform_7(%arg0: i32) -> (i32, i32) {
    %c0_i32 = arith.constant 0 : i32
    %c0_i32_0 = arith.constant 0 : i32
    return %arg0, %c0_i32 : i32, i32
  }
  func.func @transform_8(%arg0: i32) -> (i32, i32) {
    %c0_i32 = arith.constant 0 : i32
    %c0_i32_0 = arith.constant 0 : i32
    %c0_i32_1 = arith.constant 0 : i32
    return %c0_i32, %c0_i32_0 : i32, i32
  }
}

</mosaic_0001>

<sc_bundles>
// kernel: kernel.4.cloned.1.call-start
scs
__scs_entry_jumppad:
0x0: {  	(pc) =	sbr.rel $0x88, $3  }
0x1: {  	(tag) =	ssettag $0x0;
	lr =	simm.s32 $0x1  }
0x2: {  	[smem:$0x3F9F] =	sst lr;
	_ =	strace $0xD0000000  }
0x3: {  	_ = 	snop  }
0x4: {  	_ = 	snop  }
0x5: {  	_ = 	snop  }
0x6: {  	_ = 	snop  }
0x7: {  	_ = 	snop  }
__scs_overlays_trampoline_lowered:
0x8: {  	[smem:$0x3FAE] =	sst s0  }
0x9: {  	[smem:$0x3FAF] =	sst s1  }
0xa: {  	[smem:$0x3FB0] =	sst s2  }
0xb: {  	[smem:$0x3FB1] =	sst s3  }
0xc: {  	[smem:$0x3FB2] =	sst s4  }
0xd: {  	[smem:$0x3FB3] =	sst s5  }
0xe: {  	[smem:$0x3FB4] =	sst s6  }
0xf: {  	[smem:$0x3FB5] =	sst s7  }
0x10: {  	[smem:$0x3FB6] =	sst s8  }
0x11: {  	[smem:$0x3FB7] =	sst s9;
	s0 =	simm.s32 @!p0 $0x0  }
0x12: {  	s1 =	sld [smem:$0x3F9D];
	s0 =	simm.s32 @p0 $0x1  }
0x13: {  	[smem:$0x3FB8] =	sst s0;
	s0 =	simm.s32 @!p1 $0x0  }
0x14: {  	s2 =	sld [smem:$0x3F9C];
	s0 =	simm.s32 @p1 $0x1  }
0x15: {  	[smem:$0x3FB9] =	sst s0;
	s0 =	simm.s32 @!p2 $0x0  }
0x16: {  	s3 =	sld [smem:$0x3FDB];
	s0 =	simm.s32 @p2 $0x1  }
0x17: {  	s4 =	simm.s32 $0x1BF5;
	[smem:$0x3FBB] =	sst s0  }
0x18: {  	s0 =	sld [smem:$0x3F9E];
	_ =	swait.ge [sflag:s4], $0x0  }
0x19: {  	s7 =	sld [smem:$0x3F9F]  }
0x1a: {  	s8 =	sadd.s32 $0xFFFFE003, lr  }
0x1b: {  	s9 =	sadd.s32 $0xFFFFFEF7, lr;
	s5 =	simm.s32 $0xFFFFFFFF;
	p2 =	slt.u32 s8, $0xFFFFF086  }
0x1c: {  	p1 =	slt.u32 s9, $0xF7A;
	s5 =	simm.s32 @!p2 $0x0  }
0x1d: {  	s5 =	simm.s32 @p1 $0x1;
	p0 =	seq.s32 s7, s2  }
0x1e: {  	s7 =	smul.u32 @!p0 $0xF7A, s2;
	p2 =	seq.s32 @!p0 s5, $0x0  }
0x1f: {  	s9 =	smul.u32 $0xF7A, s1;
	s8 =	simm.s32 @!p0 $0x1BF5;
	p2 =	por !p2, p0  }
0x20: {  	[sflag:s8] =	ssyncset.s32 @!p0 $0xFFFFF086;
	s6 =	sadd.s32 @!p0 s3, s7;
	s7 =	simm.s32 @!p0 $0x108  }
0x21: {  	s3 =	sadd.s32 s3, s9;
	s6 =	sadd.s32 @!p0 $0x88, s6;
	s7 =	simm.s32 @p2 $0x1082  }
0x22: {  	[simem:s7], [sflag:s8] =	dma.local @!p0 [hbm:s6], $0xF7A  }
0x23: {  	s9 =	sor.u32 $0xD0000000, s2;
	s6 =	simm.s32 $0x108;
	_ =	swait.ge @!p0 [sflag:s8], $0x0  }
0x24: {  	s3 =	sadd.s32 $0x88, s3;
	s6 =	simm.s32 @!p1 $0x1082;
	[sflag:s4] =	ssyncset.s32 $0xFFFFF086  }
0x25: {  	[simem:s6], [sflag:s4] =	dma.local [hbm:s3], $0xF7A  }
0x26: {  	[smem:$0x3F9F] =	sst s1;
	(tag) =	ssettag s2;
	_ =	strace s9  }
0x27: {  	s1 =	sld [smem:$0x3FAF]  }
0x28: {  	s2 =	sld [smem:$0x3FB0]  }
0x29: {  	s4 =	sld [smem:$0x3FB2]  }
0x2a: {  	p0 =	seq.s32 s5, $0x0;
	s5 =	sld [smem:$0x3FB3]  }
0x2b: {  	s6 =	sld [smem:$0x3FB4]  }
0x2c: {  	s7 =	sld [smem:$0x3FB5]  }
0x2d: {  	s3 =	simm.s32 $0x108;
	s8 =	sld [smem:$0x3FB6]  }
0x2e: {  	s3 =	simm.s32 @!p0 $0x1082;
	s9 =	sld [smem:$0x3FB7]  }
0x2f: {  	lr =	sadd.s32 s0, s3;
	s0 =	sld [smem:$0x3FAE]  }
0x30: {  	s3 =	sld [smem:$0x3FB1]  }
0x31: {  	[smem:$0x3FBA] =	sst s10  }
0x32: {  	s10 =	sld [smem:$0x3FB8];
	_ =	sdelay $0x3  }
0x33: {  	p0 =	seq.s32 s10, $0x1;
	s10 =	sld [smem:$0x3FBA];
	_ =	sdelay $0x3  }
0x34: {  	[smem:$0x3FBA] =	sst s10  }
0x35: {  	s10 =	sld [smem:$0x3FB9];
	_ =	sdelay $0x3  }
0x36: {  	p1 =	seq.s32 s10, $0x1;
	s10 =	sld [smem:$0x3FBA];
	_ =	sdelay $0x3  }
0x37: {  	[smem:$0x3FBA] =	sst s10  }
0x38: {  	s10 =	sld [smem:$0x3FBB]  }
0x39: {  	_ = 	snop;
	(pc) =	sbr.ind lr, $3  }
0x3a: {  	_ = 	snop  }
0x3b: {  	_ = 	snop  }
0x3c: {  	p2 =	seq.s32 s10, $0x1;
	s10 =	sld [smem:$0x3FBA]  }
0x3d: {  	_ =	shalt  }
0x3e: {  	_ =	shalt  }
0x3f: {  	_ =	shalt  }
0x40: {  	_ =	shalt  }
0x41: {  	_ =	shalt  }
0x42: {  	_ =	shalt  }
0x43: {  	_ =	shalt  }
0x44: {  	_ =	shalt  }
0x45: {  	_ =	shalt  }
0x46: {  	_ =	shalt  }
0x47: {  	_ =	shalt  }
0x48: {  	_ =	shalt  }
0x49: {  	_ =	shalt  }
0x4a: {  	_ =	shalt  }
0x4b: {  	_ =	shalt  }
0x4c: {  	_ =	shalt  }
0x4d: {  	_ =	shalt  }
0x4e: {  	_ =	shalt  }
0x4f: {  	_ =	shalt  }
0x50: {  	_ =	shalt  }
0x51: {  	_ =	shalt  }
0x52: {  	_ =	shalt  }
0x53: {  	_ =	shalt  }
0x54: {  	_ =	shalt  }
0x55: {  	_ =	shalt  }
0x56: {  	_ =	shalt  }
0x57: {  	_ =	shalt  }
0x58: {  	_ =	shalt  }
0x59: {  	_ =	shalt  }
0x5a: {  	_ =	shalt  }
0x5b: {  	_ =	shalt  }
0x5c: {  	_ =	shalt  }
0x5d: {  	_ =	shalt  }
0x5e: {  	_ =	shalt  }
0x5f: {  	_ =	shalt  }
0x60: {  	_ =	shalt  }
0x61: {  	_ =	shalt  }
0x62: {  	_ =	shalt  }
0x63: {  	_ =	shalt  }
0x64: {  	_ =	shalt  }
0x65: {  	_ =	shalt  }
0x66: {  	_ =	shalt  }
0x67: {  	_ =	shalt  }
0x68: {  	_ =	shalt  }
0x69: {  	_ =	shalt  }
0x6a: {  	_ =	shalt  }
0x6b: {  	_ =	shalt  }
0x6c: {  	_ =	shalt  }
0x6d: {  	_ =	shalt  }
0x6e: {  	_ =	shalt  }
0x6f: {  	_ =	shalt  }
0x70: {  	_ =	shalt  }
0x71: {  	_ =	shalt  }
0x72: {  	_ =	shalt  }
0x73: {  	_ =	shalt  }
0x74: {  	_ =	shalt  }
0x75: {  	_ =	shalt  }
0x76: {  	_ =	shalt  }
0x77: {  	_ =	shalt  }
0x78: {  	_ =	shalt  }
0x79: {  	_ =	shalt  }
0x7a: {  	_ =	shalt  }
0x7b: {  	_ =	shalt  }
0x7c: {  	_ =	shalt  }
0x7d: {  	_ =	shalt  }
0x7e: {  	_ =	shalt  }
0x7f: {  	_ =	shalt  }
0x80: {  	_ =	shalt  }
0x81: {  	_ =	shalt  }
0x82: {  	_ =	shalt  }
0x83: {  	_ =	shalt  }
0x84: {  	_ =	shalt  }
0x85: {  	_ =	shalt  }
0x86: {  	_ =	shalt  }
0x87: {  	_ =	shalt  }
.Lfunc_end0:
.L_simem_size_0:
called_computation_lowered:
.L_overlay_start_0:
0x88: {  	s2 =	sld [smem:$0x3FD9]  }
0x89: {  	s3 =	sld [smem:$0x3FFE];
	_ =	sdelay $0x1  }
0x8a: {  	s1 =	srdreg.scid  }
0x8b: {  	s0 =	sand.u32 $0x1, s1  }
0x8c: {  	s16 =	sshll.u32 s0, $0xA;
	s2 =	sadd.s32 s3, s2  }
0x8d: {  	s2 =	sadd.s32 s2, s16  }
0x8e: {  	[smem:$0x3FC6] =	sst s2  }
0x8f: {  	_ = 	snop  }
0x90: {  	(tm) =	ssettm $0x1  }
0x91: {  	s17 =	sld [smem:$0x3FFB];
	_ =	sdelay $0x3  }
0x92: {  	_ =	strace s17  }
0x93: {  	s2 =	sld [smem:$0x3FFC];
	_ =	sdelay $0x3  }
0x94: {  	_ =	strace s2  }
0x95: {  	s2 =	sld [smem:$0x3FFD];
	_ =	sdelay $0x3  }
0x96: {  	_ =	strace s2  }
0x97: {  	_ =	strace $0x8FFFFFFF  }
0x98: {  	s18 =	sld [smem:$0x3FDB];
	_ =	sdelay $0x1  }
0x99: {  	s19 =	simm.s32 $_scs_section_size  }
0x9a: {  	s4 =	simm.s32 $_size__tile_overlayer_lowered;
	s5 =	simm.s32 $_tile_overlayer_lowered  }
0x9b: {  	s22 =	simm.s32 $0x1BFF;
	s21 =	sshll.u32 s5, $0x1;
	s2 =	sadd.s32 s19, s18  }
0x9c: {  	s6 =	simm.s32 $0x0;
	s20 =	sshll.u32 s4, $0x1;
	s4 =	sadd.s32 s21, s2  }
0x9d: {  	[timem:s6], [sflag:s22] =	dma.local [hbm:s4], s20  }
0x9e: {  	_ =	swait.ge [sflag:s22], s20  }
0x9f: {  	s3 =	ssub.s32 $0x0, s20;
	[sflag:s22] =	ssyncset.done $0x0  }
0xa0: {  	[sflag:s22] =	ssyncadd.s32 s3;
	_ =	sdelay $0x1  }
0xa1: {  	s23 =	simm.s32 $0x1B8B  }
0xa2: {  	_ =	swait.ge [sflag:s23], $0x1  }
0xa3: {  	[sflag:s23] =	ssyncset.done $0x0  }
0xa4: {  	s25 =	simm.s32 $0x1B8E;
	s24 =	sld [smem:$0x3FFE];
	[sflag:s23] =	ssyncadd.s32 $0xFFFFFFFF  }
0xa5: {  	s26 =	simm.s32 $execute0_lowered;
	[smem:$0x3FD2] =	sst s25  }
0xa6: {  	s4 =	sshll.u32 s26, $0x1;
	_ =	strace $0x80000046;
	[dreg:$0x1] =	wrdreg $0xFFFFFFFF  }
0xa7: {  	s28 =	simm.s32 $_size_execute0_lowered;
	s2 =	sadd.s32 s2, s4;
	[dreg:$0x0] =	wrdreg $0x0  }
0xa8: {  	s4 =	sshll.u32 s28, $0x1;
	[dreg:$0x2] =	wrdreg s2  }
0xa9: {  	[dreg:$0x3] =	wrdreg s4  }
0xaa: {  	[dreg:$0x4] =	wrdreg $0xC0  }
0xab: {  	_ =	task [dreg:s6], $0x5FFFF  }
0xac: {  	[dreg:$0x1] =	wrdreg $0xFFFFFFFF  }
0xad: {  	[dreg:$0x0] =	wrdreg $0x60  }
0xae: {  	[dreg:$0x2] =	wrdreg s24  }
0xaf: {  	[dreg:$0x3] =	wrdreg $0x8000  }
0xb0: {  	[dreg:$0x4] =	wrdreg $0x9  }
0xb1: {  	_ =	task.clear_ibuf [dreg:s6], $0x5FFFF;
	_ =	strace $0x90000046  }
0xb2: {  	s29 =	simm.s32 $0x9;
	_ =	strace $0x80000048  }
0xb3: {  	_ =	swait.ge [sflag:s29], $0x1  }
0xb4: {  	[sflag:s29] =	ssyncadd.s32 $0xFFFFFFFF  }
0xb5: {  	_ =	strace $0x90000048  }
0xb6: {  	_ =	sfence  }
0xb7: {  	s30 =	sld [smem:$0x0];
	_ =	sdelay $0x2  }
0xb8: {  	s31 =	sshll.u32 s1, $0xD;
	s1 =	sshrl.u32 s1, $0x2  }
0xb9: {  	s3 =	sand.u32 $0x4000, s31;
	s1 =	sadd.s32 s1, s30  }
0xba: {  	s0 =	sor.u32 s3, s0;
	s1 =	sshll.u32 s1, $0x11  }
0xbb: {  	s0 =	sor.u32 s1, s0  }
0xbc: {  	s0 =	sadd.s32 $0x8F2B, s0  }
0xbd: {  	[sflag:s0] =	ssyncadd.remote.s32 $0x1  }
0xbe: {  	_ =	sfence.sel $0xFFFF  }
0xbf: {  	[dreg:$0x0] =	wrdreg $0xFFFFFFFF;
	(pc) =	sbr.abs _section_cstart, $3  }
0xc0: {  	[dreg:$0x1] =	wrdreg $0xFFFFFFFF  }
0xc1: {  	_ =	task.clear_ibuf [dreg:s6], $0x2FFFF;
	_ =	strace $0x9FFFFFFF  }
0xc2: {  	(tm) =	ssettm $0x7FFFFFFF  }
0xc3: {  	_ =	shalt  }
tec
execute0_lowered:
.L_overlay_start_1:
0x0: {  	(tag) =	ssettag $0x1  }
0x1: {  	s16 =	rddreg [dreg:$0x0]  }
0x2: {  	s1 =	rddreg [dreg:$0x1]  }
0x3: {  	s0 =	rddreg [dreg:$0x2]  }
0x4: {  	s3 =	srdreg.scid;
	s7 =	stileid.u32  }
0x5: {  	s2 =	simm.s32 $0x0;
	s17 =	sand.u32 $0x1, s3;
	s30 =	sshll.u32 s7, $0x7  }
0x6: {  	[smem:$0x7FF] =	sst s2;
	s4 =	sshll.u32 s17, $0xB;
	s3 =	sadd.s32 s16, s30  }
0x7: {  	_ =	strace $0x80000047;
	s3 =	sadd.s32 s4, s3;
	s4 =	simm.s32 $0x1  }
0x8: {  	[tilespmem:s2], [sflag:$0x1] =	stream.linear.gather [hbm4b:s3+s2], $0x400, $0x38;
	[tilespmem:$0x840] =	vst v63  }
0x9: {  	_ =	swait.ge [sflag:s4], $0x400  }
0xa: {  	[sflag:s4] =	ssyncset.done $0x0  }
0xb: {  	s6 =	simm.s32 $0x400;
	s5 =	sadd.s32 $0x1200, s16;
	[sflag:s4] =	ssyncadd.s32 $0xFFFFFC00  }
0xc: {  	[tilespmem:s6], [sflag:$0x1] =	stream.linear.gather [hbm4b:s5+s2], $0x400, $0x38;
	[tilespmem:$0x840] =	vst v63  }
0xd: {  	_ =	swait.ge [sflag:s4], $0x400  }
0xe: {  	p0 =	sne.s32 s7, $0x0;
	[sflag:s4] =	ssyncset.done $0x0  }
0xf: {  	s7 =	simm.s32 @p0 $0x1;
	[sflag:s4] =	ssyncadd.s32 $0xFFFFFC00  }
0x10: {  	s8 =	simm.s32 @p0 $0x0;
	s9 =	simm.s32 @p0 $0x400;
	[bflag:$0x0] =	sbarrier.arrive @p0 $0xFFFF  }
0x11: {  	[spmem:s1] =	stream.indirect.scatter.add.f32 @p0 [tilespmem:s9], [sflag:$0x1], $0x1, s8, s9, $0xb8;
	[tilespmem:$0x840] =	vst v63  }
0x12: {  	_ =	swait.ge @p0 [sflag:s7], $0x400  }
0x13: {  	[sflag:s7] =	ssyncset.done @p0 $0x0  }
0x14: {  	s10 =	sadd.s32 $0x1000, s16;
	s12 =	sshrl.u32 @!p0 s1, $0x3;
	[sflag:s7] =	ssyncadd.s32 @p0 $0xFFFFFC00  }
0x15: {  	s13 =	simm.s32 @!p0 $0x1C01;
	s11 =	simm.s32 @!p0 $0x1;
	[bflag:$0x0] =	sbarrier.arrive @p0 $0xFFFF  }
0x16: {  	[spmem:s12], [sflag:s13] =	dma.local @!p0 [hbm:s10], $0x80  }
0x17: {  	s18 =	ssub.s32 $0x2, s17;
	_ =	swait.ge @!p0 [sflag:s11], $0x80  }
0x18: {  	s14 =	simm.s32 @!p0 $0x0;
	s19 =	sshrl.u32 s18, $0x1;
	[sflag:s11] =	ssyncset.done @!p0 $0x0  }
0x19: {  	s15 =	simm.s32 @!p0 $0x400;
	s18 =	ssub.s32 s18, s19;
	[sflag:s11] =	ssyncadd.s32 @!p0 $0xFFFFFF80  }
0x1a: {  	s17 =	sshll.u32 s17, $0x4;
	s31 =	smax.u32 s18, $0x1;
	[bflag:$0x0] =	sbarrier.arrive @!p0 $0xFFFF  }
0x1b: {  	[spmem:s1] =	stream.indirect.scatter.add.f32 @!p0 [tilespmem:s15], [sflag:$0x1], $0x1, s14, s15, $0xb8;
	[tilespmem:$0x840] =	vst v63  }
0x1c: {  	s16 =	sadd.s32 s17, s16;
	s17 =	sadd.s32 $0xFFFFFFFF, s31;
	_ =	swait.ge @!p0 [sflag:s11], $0x400  }
0x1d: {  	p1 =	sne.s32 s17, $0x0;
	[sflag:s11] =	ssyncset.done @!p0 $0x0  }
.Ltmp0:
0x1e: {  	s16 =	sadd.s32 $0x1400, s16;
	[sflag:s11] =	ssyncadd.s32 @!p0 $0xFFFFFC00;
	(pc) =	sbr.rel @!p1 .LBB2_2-.Ltmp0, $4  }
0x1f: {  	s19 =	simm.s32 @!p0 $0x10;
	s18 =	simm.s32 @!p0 $0x20;
	[bflag:$0x0] =	sbarrier.arrive @!p0 $0xFFFF  }
0x20: {  	[hbm:s16@s18], [sflag:s13] =	dma.strided @!p0 [spmem:s12@s19], $0x80, s11, $0x10   }
0x21: {  	_ =	swait.ge @!p0 [sflag:s11], $0x80  }
0x22: {  	[sflag:s11] =	ssyncset.done @!p0 $0x0  }
.LBB2_1:
0x23: {  	s17 =	sadd.s32 $0xFFFFFFFF, s17;
	[sflag:s11] =	ssyncadd.s32 @!p0 $0xFFFFFF80  }
0x24: {  	[tilespmem:s2], [sflag:$0x1] =	stream.linear.gather [hbm4b:s3+s2], $0x400, $0x38;
	[tilespmem:$0x840] =	vst v63  }
0x25: {  	p1 =	sne.s32 s17, $0x0;
	_ =	swait.ge [sflag:s4], $0x400  }
0x26: {  	[sflag:s4] =	ssyncset.done $0x0  }
0x27: {  	[sflag:s4] =	ssyncadd.s32 $0xFFFFFC00  }
0x28: {  	[tilespmem:s6], [sflag:$0x1] =	stream.linear.gather [hbm4b:s5+s2], $0x400, $0x38;
	[tilespmem:$0x840] =	vst v63  }
0x29: {  	_ =	swait.ge [sflag:s4], $0x400  }
0x2a: {  	[sflag:s4] =	ssyncset.done $0x0  }
0x2b: {  	[sflag:s4] =	ssyncadd.s32 $0xFFFFFC00  }
0x2c: {  	[bflag:$0x0] =	sbarrier.arrive @p0 $0xFFFF  }
0x2d: {  	[spmem:s1] =	stream.indirect.scatter.add.f32 @p0 [tilespmem:s9], [sflag:$0x1], $0x1, s8, s9, $0xb8;
	[tilespmem:$0x840] =	vst v63  }
0x2e: {  	_ =	swait.ge @p0 [sflag:s7], $0x400  }
0x2f: {  	[sflag:s7] =	ssyncset.done @p0 $0x0  }
0x30: {  	[sflag:s7] =	ssyncadd.s32 @p0 $0xFFFFFC00  }
0x31: {  	[bflag:$0x0] =	sbarrier.arrive @p0 $0xFFFF  }
0x32: {  	[spmem:s12], [sflag:s13] =	dma.local @!p0 [hbm:s10], $0x80  }
0x33: {  	_ =	swait.ge @!p0 [sflag:s11], $0x80  }
0x34: {  	[sflag:s11] =	ssyncset.done @!p0 $0x0  }
0x35: {  	[sflag:s11] =	ssyncadd.s32 @!p0 $0xFFFFFF80  }
0x36: {  	[bflag:$0x0] =	sbarrier.arrive @!p0 $0xFFFF  }
0x37: {  	[spmem:s1] =	stream.indirect.scatter.add.f32 @!p0 [tilespmem:s15], [sflag:$0x1], $0x1, s14, s15, $0xb8;
	[tilespmem:$0x840] =	vst v63  }
0x38: {  	_ =	swait.ge @!p0 [sflag:s11], $0x400  }
0x39: {  	[sflag:s11] =	ssyncset.done @!p0 $0x0  }
.Ltmp1:
0x3a: {  	[sflag:s11] =	ssyncadd.s32 @!p0 $0xFFFFFC00;
	(pc) =	sbr.rel @p1 .LBB2_1-.Ltmp1, $4  }
0x3b: {  	[bflag:$0x0] =	sbarrier.arrive @!p0 $0xFFFF  }
0x3c: {  	[hbm:s16@s18], [sflag:s13] =	dma.strided @!p0 [spmem:s12@s19], $0x80, s11, $0x10   }
0x3d: {  	_ =	swait.ge @!p0 [sflag:s11], $0x80  }
0x3e: {  	[sflag:s11] =	ssyncset.done @!p0 $0x0  }
.LBB2_2:
0x3f: {  	[sflag:s11] =	ssyncadd.s32 @!p0 $0xFFFFFF80  }
0x40: {  	_ =	sfence.sel $0x180000  }
0x41: {  	[bflag:$0x0] =	sbarrier.arrive $0xFFFF  }
0x42: {  	_ =	strace $0x90000047  }
0x43: {  	s0 =	sadd.s32 @!p0 $0x100000, s0;
	[bflag:$0x2] =	sbarrier.arrive $0xFFFF  }
0x44: {  	[sflag:s0] =	ssyncadd.tile.s32 @!p0 $0x1;
	_ =	shalt  }
.Lfunc_end2:
_tile_overlayer_lowered:
.L_overlay_start_2:
0x45: {  	(tag) =	ssettag $0x2  }
0x46: {  	s0 =	rddreg [dreg:$0x0];
	s2 =	stileid.u32  }
0x47: {  	s1 =	rddreg [dreg:$0x1];
	p0 =	sne.s32 s2, $0x0  }
0x48: {  	s3 =	rddreg [dreg:$0x2];
	[bflag:$0x3] =	sbarrier.arrive $0xFFFF;
	s2 =	simm.s32 @!p0 $0x1C01  }
0x49: {  	[timem:s3], [sflag:s2] =	dma.local @!p0 [hbm:s0], s1  }
0x4a: {  	s0 =	simm.s32 @!p0 $0x1  }
0x4b: {  	_ =	swait.ge @!p0 [sflag:s0], s1  }
0x4c: {  	s1 =	ssub.s32 @!p0 $0x0, s1;
	[sflag:s0] =	ssyncset.done @!p0 $0x0  }
0x4d: {  	[sflag:s0] =	ssyncadd.s32 @!p0 s1  }
0x4e: {  	[bflag:$0x3] =	sbarrier.arrive $0xFFFF  }
0x4f: {  	_ =	shalt  }

</sc_bundles>
